<compile_context>
chip_gen: v7x
topology: tpu7x:2x2x1
jax: 0.10.2.dev20260603
libtpu: 0.0.44.dev20260713+nightly
codegen_flags: <defaults>
</compile_context>

<pallas_src>
import functools

import jax
import jax.numpy as jnp
from jax import lax
from jax.experimental import pallas as pl
from jax.experimental.pallas import tpu as pltpu
from jax.experimental.pallas import tpu_sc as plsc

N_TOKENS = 32768
INPUT_DIM = 768
NUM_EXPERTS = 8
TILE = 4096

NUM_WORKERS = 32
ROWS_PER_WORKER = N_TOKENS // NUM_WORKERS
LANES = 16
GROUPS = ROWS_PER_WORKER // LANES


def _matmul_body(x_ref, wt_ref, b_ref, lt_ref):
    logits = jnp.dot(x_ref[...], wt_ref[...], preferred_element_type=jnp.float32)
    lt_ref[...] = logits.T + b_ref[...]


def _tc_logits(x, wt, b2):
    grid = (N_TOKENS // TILE,)
    return pl.pallas_call(
        _matmul_body,
        grid=grid,
        in_specs=[
            pl.BlockSpec((TILE, INPUT_DIM), lambda i: (i, 0)),
            pl.BlockSpec((INPUT_DIM, NUM_EXPERTS), lambda i: (0, 0)),
            pl.BlockSpec((NUM_EXPERTS, 1), lambda i: (0, 0)),
        ],
        out_specs=pl.BlockSpec((NUM_EXPERTS, TILE), lambda i: (0, i)),
        out_shape=jax.ShapeDtypeStruct((NUM_EXPERTS, N_TOKENS), jnp.float32),
        compiler_params=pltpu.CompilerParams(
            dimension_semantics=("parallel",),
        ),
    )(x, wt, b2)


def _sc_topk_body(lt_hbm, w_hbm, i_hbm, lt_v, w_v, i_v):
    wid = lax.axis_index("s") * 2 + lax.axis_index("c")
    base = wid * ROWS_PER_WORKER

    lane = lax.iota(jnp.int32, LANES)
    zeros = jnp.zeros((LANES,), jnp.int32)
    neg_inf = jnp.full((LANES,), -jnp.inf, jnp.float32)
    dup_lo = lane >> 1
    dup_hi = dup_lo + 8
    even = (lane & 1) == 0

    def interleave(a, b, idx):
        return jnp.where(even, a.at[idx].get(mode="promise_in_bounds"),
                         b.at[idx].get(mode="promise_in_bounds"))

    def group(g, carry):
        off = g * LANES
        m1 = lt_v[0, pl.ds(off, LANES)]
        i1 = zeros
        m2 = neg_inf
        i2 = zeros
        for e in range(1, NUM_EXPERTS):
            v = lt_v[e, pl.ds(off, LANES)]
            e_vec = jnp.full((LANES,), e, jnp.int32)
            gt1 = v > m1
            gt2 = v > m2
            m2 = jnp.where(gt1, m1, jnp.where(gt2, v, m2))
            i2 = jnp.where(gt1, i1, jnp.where(gt2, e_vec, i2))
            m1 = jnp.where(gt1, v, m1)
            i1 = jnp.where(gt1, e_vec, i1)
        ex = jnp.exp(m2 - m1)
        denom = 1.0 + ex
        w1 = 1.0 / denom
        w2 = ex / denom
        off2 = off * 2
        w_v[pl.ds(off2, LANES)] = interleave(w1, w2, dup_lo)
        w_v[pl.ds(off2 + LANES, LANES)] = interleave(w1, w2, dup_hi)
        i_v[pl.ds(off2, LANES)] = interleave(i1, i2, dup_lo)
        i_v[pl.ds(off2 + LANES, LANES)] = interleave(i1, i2, dup_hi)
        return carry

    del lt_hbm, w_hbm, i_hbm, lt_v, w_v, i_v


_sc_topk = functools.partial(
    pl.kernel,
    out_type=[
        jax.ShapeDtypeStruct((N_TOKENS * 2,), jnp.float32),
        jax.ShapeDtypeStruct((N_TOKENS * 2,), jnp.int32),
    ],
    mesh=plsc.VectorSubcoreMesh(core_axis_name="c", subcore_axis_name="s"),
    scratch_types=[
        pltpu.VMEM((NUM_EXPERTS, ROWS_PER_WORKER), jnp.float32),
        pltpu.VMEM((ROWS_PER_WORKER * 2,), jnp.float32),
        pltpu.VMEM((ROWS_PER_WORKER * 2,), jnp.int32),
    ],
)(_sc_topk_body)


def kernel(x, W, b):
    wt = W.T
    b2 = b.reshape(NUM_EXPERTS, 1)
    logits_t = _tc_logits(x, wt, b2)
    weights, indices = _sc_topk(logits_t)
    return (weights.reshape(N_TOKENS, 2), indices.reshape(N_TOKENS, 2))

# --- scband reference (transcript-rebuilt; emitter-appended) ---
"""Pipeline reference for scband-gating-network-3874060501222 (READ-ONLY COPY).

The authoritative reference and input builder live on the scoring server;
editing this copy changes nothing except your own understanding.
"""

import jax, jax.numpy as jnp
import numpy as np

INPUT_DIM = 768
NUM_EXPERTS = 8
TOP_K = 2
N_TOKENS = 32768

def setup_inputs(seed: int = 0) -> dict:
    key = jax.random.key(seed)
    k1, k2, k3 = jax.random.split(key, 3)
    x = jax.random.normal(k1, (N_TOKENS, INPUT_DIM), dtype=jnp.float32)
    # nn.Linear(input_dim, num_experts): W [num_experts, input_dim], b [num_experts]
    bound = 1.0 / np.sqrt(INPUT_DIM)
    W = jax.random.uniform(k2, (NUM_EXPERTS, INPUT_DIM), dtype=jnp.float32, minval=-bound, maxval=bound)
    b = jax.random.uniform(k3, (NUM_EXPERTS,), dtype=jnp.float32, minval=-bound, maxval=bound)
    return {"x": x, "W": W, "b": b}

def reference(x, W, b):
    # x is 2D [N_tokens, input_dim]: no reshape branch taken, last dim matches in_features
    logits = x @ W.T + b
    top_k_logits, top_k_indices = jax.lax.top_k(logits, TOP_K)
    weights = jax.nn.softmax(top_k_logits, axis=1)
    return (weights, top_k_indices)

if __name__ == "__main__":
    import jax
    _d = setup_inputs()
    print(jax.jit(kernel)(*tuple(_d.values())))

</pallas_src>

<mosaic_0001>
#map = affine_map<(d0, d1) -> (0, 0)>
#map1 = affine_map<(d0, d1) -> (0)>
module attributes {stable_mosaic.version = 14 : i64} {
  func.func @_sc_topk_body(%arg0: i32, %arg1: i32, %arg2: memref<8x32768xf32, #tpu.memory_space<hbm>>, %arg3: memref<65536xf32, #tpu.memory_space<hbm>>, %arg4: memref<65536xi32, #tpu.memory_space<hbm>>, %arg5: memref<8x1024xf32, #tpu.memory_space<vmem>>, %arg6: memref<2048xf32, #tpu.memory_space<vmem>>, %arg7: memref<2048xi32, #tpu.memory_space<vmem>>) attributes {dimension_semantics = [#tpu.dimension_semantics<core_parallel>, #tpu.dimension_semantics<subcore_parallel>], iteration_bounds = array<i64: 2, 16>, scalar_prefetch = 0 : i64, scratch_operands = 3 : i64, tpu.core_type = #tpu.core_type<sc_vector_subcore>, window_params = [{transform_indices = #map}, {transform_indices = #map1}, {transform_indices = #map1}]} {
    %mul3A = arith.constant 2 : i32
    %mul3A_0 = arith.muli %arg1, %mul3A : i32
    %add3A = arith.addi %mul3A_0, %arg0 : i32
    %mul3A_1 = arith.constant 1024 : i32
    %mul3A_2 = arith.muli %add3A, %mul3A_1 : i32
    %iota3A = tpu.iota {dimensions = array<i32: 0>} : vector<16xi32>
    %broadcast_in_dim3A = arith.constant 0 : i32
    %broadcast_in_dim3A_3 = vector.broadcast %broadcast_in_dim3A : i32 to vector<16xi32>
    %broadcast_in_dim3A_4 = arith.constant 0xFF800000 : f32
    %broadcast_in_dim3A_5 = vector.broadcast %broadcast_in_dim3A_4 : f32 to vector<16xf32>
    %shift_right_arithmetic3A = arith.constant 1 : i32
    %shift_right_arithmetic3A_6 = vector.broadcast %shift_right_arithmetic3A : i32 to vector<16xi32>
    %shift_right_arithmetic3A_7 = arith.shrsi %iota3A, %shift_right_arithmetic3A_6 : vector<16xi32>
    %add3A_8 = arith.constant 8 : i32
    %add3A_9 = vector.broadcast %add3A_8 : i32 to vector<16xi32>
    %add3A_10 = arith.addi %shift_right_arithmetic3A_7, %add3A_9 : vector<16xi32>
    %and3A = arith.constant 1 : i32
    %and3A_11 = vector.broadcast %and3A : i32 to vector<16xi32>
    %and3A_12 = arith.andi %iota3A, %and3A_11 : vector<16xi32>
    %eq3A = arith.constant 0 : i32
    %eq3A_13 = vector.broadcast %eq3A : i32 to vector<16xi32>
    %eq3A_14 = arith.cmpi eq, %and3A_12, %eq3A_13 : vector<16xi32>
    return
  }
}

module attributes {stable_mosaic.version = 14 : i64} {
  func.func @_matmul_body(%arg0: i32, %arg1: memref<4096x768xf32, #tpu.memory_space<vmem>>, %arg2: memref<768x8xf32, #tpu.memory_space<vmem>>, %arg3: memref<8x1xf32, #tpu.memory_space<vmem>>, %arg4: memref<8x4096xf32, #tpu.memory_space<vmem>>) attributes {dimension_semantics = [#tpu.dimension_semantics<parallel>], iteration_bounds = array<i64: 8>, scalar_prefetch = 0 : i64, scratch_operands = 0 : i64, tpu.core_type = #tpu.core_type<tc>, window_params = [{transform_indices = @transform_0, window_bounds = array<i64: 4096, 768>}, {pipeline_mode = #tpu.pipeline_mode<synchronous>, transform_indices = @transform_1, window_bounds = array<i64: 768, 8>}, {pipeline_mode = #tpu.pipeline_mode<synchronous>, transform_indices = @transform_2, window_bounds = array<i64: 8, 1>}, {transform_indices = @transform_3, window_bounds = array<i64: 8, 4096>}]} {
    %get3A = arith.constant 0 : index
    %get3A_0 = arith.constant 0 : index
    %get3A_1 = vector.load %arg1[%get3A, %get3A_0] : memref<4096x768xf32, #tpu.memory_space<vmem>>, vector<4096x768xf32>
    %get3A_2 = arith.constant 0 : index
    %get3A_3 = arith.constant 0 : index
    %get3A_4 = vector.load %arg2[%get3A_2, %get3A_3] : memref<768x8xf32, #tpu.memory_space<vmem>>, vector<768x8xf32>
    %dot_general3A = arith.constant dense<0.000000e+00> : vector<4096x8xf32>
    %dot_general3A_5 = tpu.matmul %get3A_1, %get3A_4, %dot_general3A {dimension_numbers = #tpu.dot_dimension_numbers<[1], [0], [0], [1], [0, 0, 1, 1], [], []>, transpose_lhs_hint = false} : vector<4096x768xf32>, vector<768x8xf32>, vector<4096x8xf32> -> vector<4096x8xf32>
    %transpose3A = tpu.transpose %dot_general3A_5, [1, 0] : vector<4096x8xf32> -> vector<8x4096xf32>
    %get3A_6 = arith.constant 0 : index
    %get3A_7 = arith.constant 0 : index
    %get3A_8 = vector.load %arg3[%get3A_6, %get3A_7] : memref<8x1xf32, #tpu.memory_space<vmem>>, vector<8x1xf32>
    %add3A = vector.broadcast %get3A_8 : vector<8x1xf32> to vector<8x4096xf32>
    %add3A_9 = arith.addf %transpose3A, %add3A : vector<8x4096xf32>
    %swap3A = arith.constant 0 : index
    %swap3A_10 = arith.constant 0 : index
    %swap3A_11 = vector.load %arg4[%swap3A, %swap3A_10] : memref<8x4096xf32, #tpu.memory_space<vmem>>, vector<8x4096xf32>
    tpu.vector_store %arg4[%swap3A, %swap3A_10], %add3A_9 {strides = array<i32>} : memref<8x4096xf32, #tpu.memory_space<vmem>>, vector<8x4096xf32>,
    return
  }
  func.func @transform_0(%arg0: i32) -> (i32, i32) {
    %c0_i32 = arith.constant 0 : i32
    %c0_i32_0 = arith.constant 0 : i32
    return %arg0, %c0_i32 : i32, i32
  }
  func.func @transform_1(%arg0: i32) -> (i32, i32) {
    %c0_i32 = arith.constant 0 : i32
    %c0_i32_0 = arith.constant 0 : i32
    %c0_i32_1 = arith.constant 0 : i32
    return %c0_i32, %c0_i32_0 : i32, i32
  }
  func.func @transform_2(%arg0: i32) -> (i32, i32) {
    %c0_i32 = arith.constant 0 : i32
    %c0_i32_0 = arith.constant 0 : i32
    %c0_i32_1 = arith.constant 0 : i32
    return %c0_i32, %c0_i32_0 : i32, i32
  }
  func.func @transform_3(%arg0: i32) -> (i32, i32) {
    %c0_i32 = arith.constant 0 : i32
    %c0_i32_0 = arith.constant 0 : i32
    return %c0_i32, %arg0 : i32, i32
  }
}

</mosaic_0001>

<sc_bundles>
// kernel: kernel.4.cloned.1.call-start
scs
__scs_entry_jumppad:
0x0: {  	(pc) =	sbr.rel $0x88, $3  }
0x1: {  	(tag) =	ssettag $0x0;
	lr =	simm.s32 $0x1  }
0x2: {  	[smem:$0x3F9E] =	sst lr;
	_ =	strace $0xD0000000  }
0x3: {  	_ = 	snop  }
0x4: {  	_ = 	snop  }
0x5: {  	_ = 	snop  }
0x6: {  	_ = 	snop  }
0x7: {  	_ = 	snop  }
__scs_overlays_trampoline_lowered:
0x8: {  	[smem:$0x3FAD] =	sst s0  }
0x9: {  	[smem:$0x3FAE] =	sst s1  }
0xa: {  	[smem:$0x3FAF] =	sst s2  }
0xb: {  	[smem:$0x3FB0] =	sst s3  }
0xc: {  	[smem:$0x3FB1] =	sst s4  }
0xd: {  	[smem:$0x3FB2] =	sst s5  }
0xe: {  	[smem:$0x3FB3] =	sst s6  }
0xf: {  	[smem:$0x3FB4] =	sst s7  }
0x10: {  	[smem:$0x3FB5] =	sst s8  }
0x11: {  	[smem:$0x3FB6] =	sst s9;
	s0 =	simm.s32 @!p0 $0x0  }
0x12: {  	s1 =	sld [smem:$0x3F9C];
	s0 =	simm.s32 @p0 $0x1  }
0x13: {  	[smem:$0x3FB7] =	sst s0;
	s0 =	simm.s32 @!p1 $0x0  }
0x14: {  	s2 =	sld [smem:$0x3F9B];
	s0 =	simm.s32 @p1 $0x1  }
0x15: {  	[smem:$0x3FB8] =	sst s0;
	s0 =	simm.s32 @!p2 $0x0  }
0x16: {  	s3 =	sld [smem:$0x3FDB];
	s0 =	simm.s32 @p2 $0x1  }
0x17: {  	s4 =	simm.s32 $0x1BF5;
	[smem:$0x3FBA] =	sst s0  }
0x18: {  	s0 =	sld [smem:$0x3F9D];
	_ =	swait.ge [sflag:s4], $0x0  }
0x19: {  	s7 =	sld [smem:$0x3F9E]  }
0x1a: {  	s8 =	sadd.s32 $0xFFFFE003, lr  }
0x1b: {  	s9 =	sadd.s32 $0xFFFFFEF7, lr;
	s5 =	simm.s32 $0xFFFFFFFF;
	p2 =	slt.u32 s8, $0xFFFFF086  }
0x1c: {  	p1 =	slt.u32 s9, $0xF7A;
	s5 =	simm.s32 @!p2 $0x0  }
0x1d: {  	s5 =	simm.s32 @p1 $0x1;
	p0 =	seq.s32 s7, s2  }
0x1e: {  	s7 =	smul.u32 @!p0 $0xF7A, s2;
	p2 =	seq.s32 @!p0 s5, $0x0  }
0x1f: {  	s9 =	smul.u32 $0xF7A, s1;
	s8 =	simm.s32 @!p0 $0x1BF5;
	p2 =	por !p2, p0  }
0x20: {  	[sflag:s8] =	ssyncset.s32 @!p0 $0xFFFFF086;
	s6 =	sadd.s32 @!p0 s3, s7;
	s7 =	simm.s32 @!p0 $0x108  }
0x21: {  	s3 =	sadd.s32 s3, s9;
	s6 =	sadd.s32 @!p0 $0x88, s6;
	s7 =	simm.s32 @p2 $0x1082  }
0x22: {  	[simem:s7], [sflag:s8] =	dma.local @!p0 [hbm:s6], $0xF7A  }
0x23: {  	s9 =	sor.u32 $0xD0000000, s2;
	s6 =	simm.s32 $0x108;
	_ =	swait.ge @!p0 [sflag:s8], $0x0  }
0x24: {  	s3 =	sadd.s32 $0x88, s3;
	s6 =	simm.s32 @!p1 $0x1082;
	[sflag:s4] =	ssyncset.s32 $0xFFFFF086  }
0x25: {  	[simem:s6], [sflag:s4] =	dma.local [hbm:s3], $0xF7A  }
0x26: {  	[smem:$0x3F9E] =	sst s1;
	(tag) =	ssettag s2;
	_ =	strace s9  }
0x27: {  	s1 =	sld [smem:$0x3FAE]  }
0x28: {  	s2 =	sld [smem:$0x3FAF]  }
0x29: {  	s4 =	sld [smem:$0x3FB1]  }
0x2a: {  	p0 =	seq.s32 s5, $0x0;
	s5 =	sld [smem:$0x3FB2]  }
0x2b: {  	s6 =	sld [smem:$0x3FB3]  }
0x2c: {  	s7 =	sld [smem:$0x3FB4]  }
0x2d: {  	s3 =	simm.s32 $0x108;
	s8 =	sld [smem:$0x3FB5]  }
0x2e: {  	s3 =	simm.s32 @!p0 $0x1082;
	s9 =	sld [smem:$0x3FB6]  }
0x2f: {  	lr =	sadd.s32 s0, s3;
	s0 =	sld [smem:$0x3FAD]  }
0x30: {  	s3 =	sld [smem:$0x3FB0]  }
0x31: {  	[smem:$0x3FB9] =	sst s10  }
0x32: {  	s10 =	sld [smem:$0x3FB7];
	_ =	sdelay $0x3  }
0x33: {  	p0 =	seq.s32 s10, $0x1;
	s10 =	sld [smem:$0x3FB9];
	_ =	sdelay $0x3  }
0x34: {  	[smem:$0x3FB9] =	sst s10  }
0x35: {  	s10 =	sld [smem:$0x3FB8];
	_ =	sdelay $0x3  }
0x36: {  	p1 =	seq.s32 s10, $0x1;
	s10 =	sld [smem:$0x3FB9];
	_ =	sdelay $0x3  }
0x37: {  	[smem:$0x3FB9] =	sst s10  }
0x38: {  	s10 =	sld [smem:$0x3FBA]  }
0x39: {  	_ = 	snop;
	(pc) =	sbr.ind lr, $3  }
0x3a: {  	_ = 	snop  }
0x3b: {  	_ = 	snop  }
0x3c: {  	p2 =	seq.s32 s10, $0x1;
	s10 =	sld [smem:$0x3FB9]  }
0x3d: {  	_ =	shalt  }
0x3e: {  	_ =	shalt  }
0x3f: {  	_ =	shalt  }
0x40: {  	_ =	shalt  }
0x41: {  	_ =	shalt  }
0x42: {  	_ =	shalt  }
0x43: {  	_ =	shalt  }
0x44: {  	_ =	shalt  }
0x45: {  	_ =	shalt  }
0x46: {  	_ =	shalt  }
0x47: {  	_ =	shalt  }
0x48: {  	_ =	shalt  }
0x49: {  	_ =	shalt  }
0x4a: {  	_ =	shalt  }
0x4b: {  	_ =	shalt  }
0x4c: {  	_ =	shalt  }
0x4d: {  	_ =	shalt  }
0x4e: {  	_ =	shalt  }
0x4f: {  	_ =	shalt  }
0x50: {  	_ =	shalt  }
0x51: {  	_ =	shalt  }
0x52: {  	_ =	shalt  }
0x53: {  	_ =	shalt  }
0x54: {  	_ =	shalt  }
0x55: {  	_ =	shalt  }
0x56: {  	_ =	shalt  }
0x57: {  	_ =	shalt  }
0x58: {  	_ =	shalt  }
0x59: {  	_ =	shalt  }
0x5a: {  	_ =	shalt  }
0x5b: {  	_ =	shalt  }
0x5c: {  	_ =	shalt  }
0x5d: {  	_ =	shalt  }
0x5e: {  	_ =	shalt  }
0x5f: {  	_ =	shalt  }
0x60: {  	_ =	shalt  }
0x61: {  	_ =	shalt  }
0x62: {  	_ =	shalt  }
0x63: {  	_ =	shalt  }
0x64: {  	_ =	shalt  }
0x65: {  	_ =	shalt  }
0x66: {  	_ =	shalt  }
0x67: {  	_ =	shalt  }
0x68: {  	_ =	shalt  }
0x69: {  	_ =	shalt  }
0x6a: {  	_ =	shalt  }
0x6b: {  	_ =	shalt  }
0x6c: {  	_ =	shalt  }
0x6d: {  	_ =	shalt  }
0x6e: {  	_ =	shalt  }
0x6f: {  	_ =	shalt  }
0x70: {  	_ =	shalt  }
0x71: {  	_ =	shalt  }
0x72: {  	_ =	shalt  }
0x73: {  	_ =	shalt  }
0x74: {  	_ =	shalt  }
0x75: {  	_ =	shalt  }
0x76: {  	_ =	shalt  }
0x77: {  	_ =	shalt  }
0x78: {  	_ =	shalt  }
0x79: {  	_ =	shalt  }
0x7a: {  	_ =	shalt  }
0x7b: {  	_ =	shalt  }
0x7c: {  	_ =	shalt  }
0x7d: {  	_ =	shalt  }
0x7e: {  	_ =	shalt  }
0x7f: {  	_ =	shalt  }
0x80: {  	_ =	shalt  }
0x81: {  	_ =	shalt  }
0x82: {  	_ =	shalt  }
0x83: {  	_ =	shalt  }
0x84: {  	_ =	shalt  }
0x85: {  	_ =	shalt  }
0x86: {  	_ =	shalt  }
0x87: {  	_ =	shalt  }
.Lfunc_end0:
.L_simem_size_0:
called_computation_lowered:
.L_overlay_start_0:
0x88: {  	s1 =	sld [smem:$0x3FD9]  }
0x89: {  	s2 =	sld [smem:$0x3FFE];
	_ =	sdelay $0x1  }
0x8a: {  	s3 =	srdreg.scid  }
0x8b: {  	s0 =	sand.u32 $0x1, s3  }
0x8c: {  	s17 =	sshll.u32 s0, $0xA;
	s1 =	sadd.s32 s2, s1  }
0x8d: {  	s1 =	sadd.s32 s1, s17  }
0x8e: {  	[smem:$0x3FC5] =	sst s1  }
0x8f: {  	_ = 	snop  }
0x90: {  	(tm) =	ssettm $0x1  }
0x91: {  	s18 =	sld [smem:$0x3FFB];
	_ =	sdelay $0x3  }
0x92: {  	_ =	strace s18  }
0x93: {  	s1 =	sld [smem:$0x3FFC];
	_ =	sdelay $0x3  }
0x94: {  	_ =	strace s1  }
0x95: {  	s1 =	sld [smem:$0x3FFD];
	_ =	sdelay $0x3  }
0x96: {  	_ =	strace s1  }
0x97: {  	_ =	strace $0x8FFFFFFF  }
0x98: {  	s19 =	sld [smem:$0x3FDB];
	_ =	sdelay $0x1  }
0x99: {  	s20 =	simm.s32 $_scs_section_size  }
0x9a: {  	s4 =	simm.s32 $_size__tile_overlayer_lowered;
	s5 =	simm.s32 $_tile_overlayer_lowered  }
0x9b: {  	s23 =	simm.s32 $0x1BFF;
	s22 =	sshll.u32 s5, $0x1;
	s1 =	sadd.s32 s20, s19  }
0x9c: {  	s6 =	simm.s32 $0x0;
	s21 =	sshll.u32 s4, $0x1;
	s4 =	sadd.s32 s22, s1  }
0x9d: {  	[timem:s6], [sflag:s23] =	dma.local [hbm:s4], s21  }
0x9e: {  	_ =	swait.ge [sflag:s23], s21  }
0x9f: {  	s2 =	ssub.s32 $0x0, s21;
	[sflag:s23] =	ssyncset.done $0x0  }
0xa0: {  	[sflag:s23] =	ssyncadd.s32 s2;
	_ =	sdelay $0x1  }
0xa1: {  	s24 =	simm.s32 $0x1B8B  }
0xa2: {  	_ =	swait.ge [sflag:s24], $0x1  }
0xa3: {  	[sflag:s24] =	ssyncset.done $0x0  }
0xa4: {  	s25 =	simm.s32 $0x1B8E;
	[sflag:s24] =	ssyncadd.s32 $0xFFFFFFFF  }
0xa5: {  	s26 =	simm.s32 $execute0_lowered;
	[smem:$0x3FD2] =	sst s25  }
0xa6: {  	s2 =	sshll.u32 s26, $0x1;
	_ =	strace $0x80000046;
	[dreg:$0x1] =	wrdreg $0xFFFFFFFF  }
0xa7: {  	s28 =	simm.s32 $_size_execute0_lowered;
	s1 =	sadd.s32 s1, s2;
	[dreg:$0x0] =	wrdreg $0x0  }
0xa8: {  	s2 =	sshll.u32 s28, $0x1;
	[dreg:$0x2] =	wrdreg s1  }
0xa9: {  	[dreg:$0x3] =	wrdreg s2  }
0xaa: {  	[dreg:$0x4] =	wrdreg $0xC0  }
0xab: {  	_ =	task [dreg:s6], $0x5FFFF  }
0xac: {  	[dreg:$0x1] =	wrdreg $0xFFFFFFFF  }
0xad: {  	[dreg:$0x0] =	wrdreg $0x60  }
0xae: {  	[dreg:$0x2] =	wrdreg $0x9  }
0xaf: {  	_ =	task.clear_ibuf [dreg:s6], $0x3FFFF;
	_ =	strace $0x90000046  }
0xb0: {  	s29 =	simm.s32 $0x9;
	_ =	strace $0x80000048  }
0xb1: {  	_ =	swait.ge [sflag:s29], $0x1  }
0xb2: {  	[sflag:s29] =	ssyncadd.s32 $0xFFFFFFFF  }
0xb3: {  	_ =	strace $0x90000048  }
0xb4: {  	_ =	sfence  }
0xb5: {  	s30 =	sld [smem:$0x0];
	_ =	sdelay $0x2  }
0xb6: {  	s31 =	sshll.u32 s3, $0xD;
	s3 =	sshrl.u32 s3, $0x2  }
0xb7: {  	s2 =	sand.u32 $0x4000, s31;
	s1 =	sadd.s32 s3, s30  }
0xb8: {  	s0 =	sor.u32 s2, s0;
	s1 =	sshll.u32 s1, $0x11  }
0xb9: {  	s0 =	sor.u32 s1, s0  }
0xba: {  	s0 =	sadd.s32 $0x8F2B, s0  }
0xbb: {  	[sflag:s0] =	ssyncadd.remote.s32 $0x1  }
0xbc: {  	_ =	sfence.sel $0xFFFF  }
0xbd: {  	[dreg:$0x0] =	wrdreg $0xFFFFFFFF;
	(pc) =	sbr.abs _section_cstart, $3  }
0xbe: {  	[dreg:$0x1] =	wrdreg $0xFFFFFFFF  }
0xbf: {  	_ =	task.clear_ibuf [dreg:s6], $0x2FFFF;
	_ =	strace $0x9FFFFFFF  }
0xc0: {  	(tm) =	ssettm $0x7FFFFFFF  }
0xc1: {  	_ =	shalt  }
tec
execute0_lowered:
.L_overlay_start_1:
0x0: {  	(tag) =	ssettag $0x1  }
0x1: {  	s0 =	rddreg [dreg:$0x0];
	_ =	strace $0x80000047  }
0x2: {  	_ =	sfence.sel $0x180000  }
0x3: {  	s1 =	stileid.u32;
	[bflag:$0x0] =	sbarrier.arrive $0xFFFF  }
0x4: {  	p0 =	sne.s32 s1, $0x0;
	_ =	strace $0x90000047  }
0x5: {  	s0 =	sadd.s32 @!p0 $0x100000, s0;
	[bflag:$0x2] =	sbarrier.arrive $0xFFFF  }
0x6: {  	[sflag:s0] =	ssyncadd.tile.s32 @!p0 $0x1;
	_ =	shalt  }
.Lfunc_end2:
_tile_overlayer_lowered:
.L_overlay_start_2:
0x7: {  	(tag) =	ssettag $0x2  }
0x8: {  	s0 =	rddreg [dreg:$0x0];
	s2 =	stileid.u32  }
0x9: {  	s1 =	rddreg [dreg:$0x1];
	p0 =	sne.s32 s2, $0x0  }
0xa: {  	s3 =	rddreg [dreg:$0x2];
	[bflag:$0x3] =	sbarrier.arrive $0xFFFF;
	s2 =	simm.s32 @!p0 $0x1C01  }
0xb: {  	[timem:s3], [sflag:s2] =	dma.local @!p0 [hbm:s0], s1  }
0xc: {  	s0 =	simm.s32 @!p0 $0x1  }
0xd: {  	_ =	swait.ge @!p0 [sflag:s0], s1  }
0xe: {  	s1 =	ssub.s32 @!p0 $0x0, s1;
	[sflag:s0] =	ssyncset.done @!p0 $0x0  }
0xf: {  	[sflag:s0] =	ssyncadd.s32 @!p0 s1  }
0x10: {  	[bflag:$0x3] =	sbarrier.arrive $0xFFFF  }
0x11: {  	_ =	shalt  }

</sc_bundles>
